<compile_context>
chip_gen: v7x
topology: tpu7x:2x2x1
jax: 0.10.2.dev20260603
libtpu: 0.0.44.dev20260713+nightly
codegen_flags: <defaults>
</compile_context>

<pallas_src>
import functools

import jax
import jax.numpy as jnp
from jax import lax
from jax.experimental import pallas as pl
from jax.experimental.pallas import tpu as pltpu
from jax.experimental.pallas import tpu_sc as plsc

_TR_BLOCK = 8192


def _split_transpose_tc(table_t, block_cols=_TR_BLOCK):
    d, v = table_t.shape
    half = block_cols // 2
    n_blocks = (v + block_cols - 1) // block_cols
    eye = jnp.eye(d, dtype=jnp.bfloat16)

    def body(t_ref, e_ref, o_ref):
        tb = t_ref[...].astype(jnp.bfloat16)
        e = e_ref[...]
        o_ref[:, 0:d] = lax.dot_general(
            tb[:, 0:half], e, (((0,), (0,)), ((), ())),
            preferred_element_type=jnp.float32,
        )
        o_ref[:, d:2 * d] = lax.dot_general(
            tb[:, half:block_cols], e, (((0,), (0,)), ((), ())),
            preferred_element_type=jnp.float32,
        )

    return pl.pallas_call(
        body,
        grid=(n_blocks,),
        in_specs=[
            pl.BlockSpec((d, block_cols), lambda i: (0, i)),
            pl.BlockSpec((d, d), lambda i: (0, 0)),
        ],
        out_specs=pl.BlockSpec((half, 2 * d), lambda i: (i, 0)),
        out_shape=jax.ShapeDtypeStruct((n_blocks * half, 2 * d), jnp.float32),
    )(table_t, eye)


def _bag_sum_sc(idx2d, table, hist, bags_per_chunk):
    info = plsc.get_sparse_core_info()
    nc, ns, lanes = info.num_cores, info.num_subcores, info.num_lanes
    nw = nc * ns
    n_chunks_total, chunk_idx = idx2d.shape
    assert chunk_idx == bags_per_chunk * hist
    _, d = table.shape
    n_bags = n_chunks_total * bags_per_chunk
    assert n_bags % (2 * nw) == 0
    bags_pw = n_bags // nw
    chunks_pw = n_chunks_total // nw
    assert chunks_pw % 2 == 0
    n_col = d // lanes

    mesh = plsc.VectorSubcoreMesh(core_axis_name="c", subcore_axis_name="s")

    @functools.partial(
        pl.kernel,
        out_type=jax.ShapeDtypeStruct((n_bags, d), jnp.float32),
        mesh=mesh,
        scratch_types=[
            pltpu.VMEM((chunks_pw, chunk_idx), jnp.int32),
            pltpu.VMEM((2, chunk_idx, d), jnp.float32),
            pltpu.VMEM((bags_pw, d), jnp.float32),
            pltpu.SemaphoreType.DMA,
            pltpu.SemaphoreType.DMA,
        ],
        compiler_params=pltpu.CompilerParams(use_tc_tiling_on_sc=False),
    )
    def k(idx_hbm, table_hbm, out_hbm, idx_v, rows_v, pooled_v, sem0, sem1):
        wid = lax.axis_index("s") * nc + lax.axis_index("c")
        pltpu.sync_copy(idx_hbm.at[pl.ds(wid * chunks_pw, chunks_pw), :], idx_v)

        def start(ci, buf, sem):
            pltpu.async_copy(table_hbm.at[idx_v.at[ci]], rows_v.at[buf], sem)

        def wait(buf, sem):
            pltpu.make_async_copy(
                table_hbm.at[idx_v.at[0]], rows_v.at[buf], sem
            ).wait()

        def compute(ci, buf):
            for b in range(bags_per_chunk):
                def row_body(r, accs):
                    base = b * hist + r
                    return tuple(
                        accs[c] + rows_v[buf, base, pl.ds(c * lanes, lanes)]
                        for c in range(n_col)
                    )
                accs = tuple(
                    jnp.zeros((lanes,), jnp.float32) for _ in range(n_col)
                )
                accs = lax.fori_loop(0, hist, row_body, accs)
                bag = ci * bags_per_chunk + b
                for c in range(n_col):
                    pooled_v[bag, pl.ds(c * lanes, lanes)] = accs[c]

        start(0, 0, sem0)

        def pair_body(ci2, _):
            ci = ci2 * 2
            start(ci + 1, 1, sem1)
            wait(0, sem0)
            compute(ci, 0)

            @pl.when(ci2 + 1 < chunks_pw // 2)
            def _():
                start(ci + 2, 0, sem0)

            wait(1, sem1)
            compute(ci + 1, 1)
            return 0

        lax.fori_loop(0, chunks_pw // 2, pair_body, 0)
        pltpu.sync_copy(
            pooled_v, out_hbm.at[pl.ds(wid * bags_pw, bags_pw), :]
        )

    return k(idx2d, table)


def _proj_tc(pooled, w, block_b=2048):
    b, d = pooled.shape
    o, _ = w.shape

    def body(p_ref, w_ref, o_ref):
        o_ref[...] = lax.dot_general(
            p_ref[...], w_ref[...],
            (((1,), (1,)), ((), ())),
            preferred_element_type=jnp.float32,
        )

    return pl.pallas_call(
        body,
        grid=(b // block_b,),
        in_specs=[
            pl.BlockSpec((block_b, d), lambda i: (i, 0)),
            pl.BlockSpec((o, d), lambda i: (0, 0)),
        ],
        out_specs=pl.BlockSpec((block_b, o), lambda i: (i, 0)),
        out_shape=jax.ShapeDtypeStruct((b, o), jnp.float32),
    )(pooled, w)


def kernel(input_, embed_weight, linear_weight):
    batch, hist = input_.shape
    nemb, d = embed_weight.shape
    bags_per_chunk = 2
    chunk_idx = bags_per_chunk * hist
    v = input_.astype(jnp.int32)
    half = _TR_BLOCK // 2
    shift = half.bit_length() - 1
    j = (v & ~(_TR_BLOCK - 1)) | ((v & (half - 1)) << 1) | ((v >> shift) & 1)
    idx2d = j.reshape(batch // bags_per_chunk, chunk_idx)
    epairs = _split_transpose_tc(embed_weight.T)
    table = epairs.reshape(epairs.shape[0] * 2, d)
    pooled = _bag_sum_sc(idx2d, table, hist, bags_per_chunk)
    return _proj_tc(pooled, linear_weight)

# --- scband reference (transcript-rebuilt; emitter-appended) ---
"""Pipeline reference for scband-parallel-mix-vocab-embedding-bag-13374528159925 (READ-ONLY COPY).

The authoritative reference and input builder live on the scoring server;
editing this copy changes nothing except your own understanding.
"""

import jax, jax.numpy as jnp
import numpy as np

NUM_EMBEDDINGS = 1000000
BLOCK_DIM = 64
BASE_DIM = 128
BATCH = 16384
HIST = 50

def setup_inputs(seed: int = 0) -> dict:
    key = jax.random.key(seed)
    k1, k2, k3 = jax.random.split(key, 3)
    input_ = jax.random.randint(k1, (BATCH, HIST), 0, NUM_EMBEDDINGS)
    # embedding table (block/compressed dim) and projection to base dim, per init_kwargs
    embed_weight = jax.random.normal(k2, (NUM_EMBEDDINGS, BLOCK_DIM), dtype=jnp.float32) * 0.05
    linear_weight = jax.random.normal(k3, (BASE_DIM, BLOCK_DIM), dtype=jnp.float32) * 0.05
    return {"input_": input_, "embed_weight": embed_weight, "linear_weight": linear_weight}

def reference(input_, embed_weight, linear_weight):
    # F.embedding_bag(input_2d, weight, mode='sum') == gather then sum over bag dim
    gathered = jnp.take(embed_weight, input_, axis=0)          # [B, L, block_dim]
    pooled = jnp.sum(gathered, axis=1)                         # [B, block_dim]
    # F.linear(pooled, linear_weight): pooled @ linear_weight.T -> [B, base_dim]
    out = pooled @ linear_weight.T
    return out

if __name__ == "__main__":
    import jax
    _d = setup_inputs()
    print(jax.jit(kernel)(*tuple(_d.values())))

</pallas_src>

<mosaic_0001>
#map = affine_map<(d0, d1) -> (0, 0)>
module attributes {stable_mosaic.version = 14 : i64} {
  func.func @k(%arg0: i32, %arg1: i32, %arg2: memref<8192x100xi32, #tpu.memory_space<hbm>>, %arg3: memref<1007616x64xf32, #tpu.memory_space<hbm>>, %arg4: memref<16384x64xf32, #tpu.memory_space<hbm>>, %arg5: memref<256x100xi32, #tpu.memory_space<vmem>>, %arg6: memref<2x100x64xf32, #tpu.memory_space<vmem>>, %arg7: memref<512x64xf32, #tpu.memory_space<vmem>>, %arg8: memref<!tpu.dma_semaphore, #tpu.memory_space<semaphore_mem>>, %arg9: memref<!tpu.dma_semaphore, #tpu.memory_space<semaphore_mem>>) attributes {dimension_semantics = [#tpu.dimension_semantics<core_parallel>, #tpu.dimension_semantics<subcore_parallel>], iteration_bounds = array<i64: 2, 16>, scalar_prefetch = 0 : i64, scratch_operands = 5 : i64, tpu.core_type = #tpu.core_type<sc_vector_subcore>, window_params = [{transform_indices = #map}, {transform_indices = #map}, {transform_indices = #map}]} {
    %mul3A = arith.constant 2 : i32
    %mul3A_0 = arith.muli %arg1, %mul3A : i32
    %add3A = arith.addi %mul3A_0, %arg0 : i32
    %mul3A_1 = arith.constant 256 : i32
    %mul3A_2 = arith.muli %add3A, %mul3A_1 : i32
    "tpu.region"() ({
      %run_scoped3A = tpu.sem_alloc : memref<!tpu.dma_semaphore, #tpu.memory_space<semaphore_mem>>
      %dma_start3A_22 = arith.constant 0 : i32
      %dma_start3A_23 = tpu.memref_slice %arg2[%mul3A_2, %dma_start3A_22] : memref<8192x100xi32, #tpu.memory_space<hbm>> -> memref<256x100xi32, #tpu.memory_space<hbm>>
      %dma_start3A_24 = arith.constant 0 : i32
      %dma_start3A_25 = tpu.memref_slice %arg2[%mul3A_2, %dma_start3A_24] : memref<8192x100xi32, #tpu.memory_space<hbm>> -> memref<256x100xi32, #tpu.memory_space<hbm>>
      tpu.enqueue_dma source(%dma_start3A_25 : memref<256x100xi32, #tpu.memory_space<hbm>>) target(%arg5 : memref<256x100xi32, #tpu.memory_space<vmem>>) target_semaphore(%run_scoped3A : memref<!tpu.dma_semaphore, #tpu.memory_space<semaphore_mem>>)
      %dma_wait3A = arith.constant 0 : i32
      %dma_wait3A_26 = tpu.memref_slice %arg2[%mul3A_2, %dma_wait3A] : memref<8192x100xi32, #tpu.memory_space<hbm>> -> memref<256x100xi32, #tpu.memory_space<hbm>>
      %dma_wait3A_27 = arith.constant 0 : i32
      %dma_wait3A_28 = tpu.memref_slice %arg2[%mul3A_2, %dma_wait3A_27] : memref<8192x100xi32, #tpu.memory_space<hbm>> -> memref<256x100xi32, #tpu.memory_space<hbm>>
      tpu.wait_dma2 semaphore(%run_scoped3A : memref<!tpu.dma_semaphore, #tpu.memory_space<semaphore_mem>>) src(%dma_wait3A_28 : memref<256x100xi32, #tpu.memory_space<hbm>>) dst(%arg5 : memref<256x100xi32, #tpu.memory_space<vmem>>)
      tpu.yield
    }) : () -> ()
    %dma_start3A = arith.constant 0 : i32
    %dma_start3A_3 = arith.constant 0 : i32
    %dma_start3A_4 = arith.constant 0 : i32
    %dma_start3A_5 = arith.constant 0 : i32
    %dma_start3A_6 = tpu.memref_slice %arg6[%dma_start3A_3, %dma_start3A_4, %dma_start3A_5] : memref<2x100x64xf32, #tpu.memory_space<vmem>> -> memref<1x100x64xf32, #tpu.memory_space<vmem>>
    %dma_start3A_7 = tpu.memref_squeeze %dma_start3A_6 : memref<1x100x64xf32, #tpu.memory_space<vmem>> -> memref<100x64xf32, #tpu.memory_space<vmem>>
    %dma_start3A_8 = arith.constant 0 : i32
    %dma_start3A_9 = tpu.memref_slice %arg5[%dma_start3A, %dma_start3A_8] : memref<256x100xi32, #tpu.memory_space<vmem>> -> memref<1x100xi32, #tpu.memory_space<vmem>>
    %dma_start3A_10 = tpu.memref_squeeze %dma_start3A_9 : memref<1x100xi32, #tpu.memory_space<vmem>> -> memref<100xi32, #tpu.memory_space<vmem>>
    %dma_start3A_11 = arith.constant 0 : i32
    %dma_start3A_12 = arith.constant 0 : i32
    %dma_start3A_13 = tpu.memref_slice %arg3[%dma_start3A_11, %dma_start3A_12] : memref<1007616x64xf32, #tpu.memory_space<hbm>> -> memref<1007616x64xf32, #tpu.memory_space<hbm>>
    tpu.enqueue_indirect_dma source(%dma_start3A_13 : memref<1007616x64xf32, #tpu.memory_space<hbm>>) target(%dma_start3A_7 : memref<100x64xf32, #tpu.memory_space<vmem>>) offsets(%dma_start3A_10 : memref<100xi32, #tpu.memory_space<vmem>>) semaphore(%arg8 : memref<!tpu.dma_semaphore, #tpu.memory_space<semaphore_mem>>)
    %scan3A = arith.constant 0 : i32
    %scan3A_14 = arith.constant 0 : i32
    %scan3A_15 = arith.constant 128 : i32
    %scan3A_16 = arith.addi %scan3A_14, %scan3A_15 : i32
    %scan3A_17 = arith.constant 1 : i32
    %scan3A_18 = scf.for %scan3A_22 = %scan3A_14 to %scan3A_16 step %scan3A_17 iter_args(%scan3A_23 = %scan3A) -> (i32)  : i32 {
      %mul3A_24 = arith.constant 2 : i32
      %mul3A_25 = arith.muli %scan3A_22, %mul3A_24 : i32
      %add3A_26 = arith.constant 1 : i32
      %add3A_27 = arith.addi %mul3A_25, %add3A_26 : i32
      %dma_start3A_28 = arith.constant 1 : i32
      %dma_start3A_29 = arith.constant 0 : i32
      %dma_start3A_30 = arith.constant 0 : i32
      %dma_start3A_31 = tpu.memref_slice %arg6[%dma_start3A_28, %dma_start3A_29, %dma_start3A_30] : memref<2x100x64xf32, #tpu.memory_space<vmem>> -> memref<1x100x64xf32, #tpu.memory_space<vmem>>
      %dma_start3A_32 = tpu.memref_squeeze %dma_start3A_31 : memref<1x100x64xf32, #tpu.memory_space<vmem>> -> memref<100x64xf32, #tpu.memory_space<vmem>>
      %dma_start3A_33 = arith.constant 0 : i32
      %dma_start3A_34 = tpu.memref_slice %arg5[%add3A_27, %dma_start3A_33] : memref<256x100xi32, #tpu.memory_space<vmem>> -> memref<1x100xi32, #tpu.memory_space<vmem>>
      %dma_start3A_35 = tpu.memref_squeeze %dma_start3A_34 : memref<1x100xi32, #tpu.memory_space<vmem>> -> memref<100xi32, #tpu.memory_space<vmem>>
      %dma_start3A_36 = arith.constant 0 : i32
      %dma_start3A_37 = arith.constant 0 : i32
      %dma_start3A_38 = tpu.memref_slice %arg3[%dma_start3A_36, %dma_start3A_37] : memref<1007616x64xf32, #tpu.memory_space<hbm>> -> memref<1007616x64xf32, #tpu.memory_space<hbm>>
      tpu.enqueue_indirect_dma source(%dma_start3A_38 : memref<1007616x64xf32, #tpu.memory_space<hbm>>) target(%dma_start3A_32 : memref<100x64xf32, #tpu.memory_space<vmem>>) offsets(%dma_start3A_35 : memref<100xi32, #tpu.memory_space<vmem>>) semaphore(%arg9 : memref<!tpu.dma_semaphore, #tpu.memory_space<semaphore_mem>>)
      %dma_wait3A = arith.constant 0 : i32
      %dma_wait3A_39 = arith.constant 0 : i32
      %dma_wait3A_40 = arith.constant 0 : i32
      %dma_wait3A_41 = arith.constant 0 : i32
      %dma_wait3A_42 = tpu.memref_slice %arg6[%dma_wait3A_39, %dma_wait3A_40, %dma_wait3A_41] : memref<2x100x64xf32, #tpu.memory_space<vmem>> -> memref<1x100x64xf32, #tpu.memory_space<vmem>>
      %dma_wait3A_43 = tpu.memref_squeeze %dma_wait3A_42 : memref<1x100x64xf32, #tpu.memory_space<vmem>> -> memref<100x64xf32, #tpu.memory_space<vmem>>
      %dma_wait3A_44 = arith.constant 0 : i32
      %dma_wait3A_45 = tpu.memref_slice %arg5[%dma_wait3A, %dma_wait3A_44] : memref<256x100xi32, #tpu.memory_space<vmem>> -> memref<1x100xi32, #tpu.memory_space<vmem>>
      %dma_wait3A_46 = tpu.memref_squeeze %dma_wait3A_45 : memref<1x100xi32, #tpu.memory_space<vmem>> -> memref<100xi32, #tpu.memory_space<vmem>>
      %dma_wait3A_47 = arith.constant 0 : i32
      %dma_wait3A_48 = arith.constant 0 : i32
      %dma_wait3A_49 = tpu.memref_slice %arg3[%dma_wait3A_47, %dma_wait3A_48] : memref<1007616x64xf32, #tpu.memory_space<hbm>> -> memref<1007616x64xf32, #tpu.memory_space<hbm>>
      tpu.wait_indirect_dma semaphore(%arg8 : memref<!tpu.dma_semaphore, #tpu.memory_space<semaphore_mem>>) src(%dma_wait3A_49 : memref<1007616x64xf32, #tpu.memory_space<hbm>>) dst(%dma_wait3A_43 : memref<100x64xf32, #tpu.memory_space<vmem>>)
      %broadcast_in_dim3A = arith.constant 0.000000e+00 : f32
      %broadcast_in_dim3A_50 = vector.broadcast %broadcast_in_dim3A : f32 to vector<16xf32>
      %broadcast_in_dim3A_51 = arith.constant 0.000000e+00 : f32
      %broadcast_in_dim3A_52 = vector.broadcast %broadcast_in_dim3A_51 : f32 to vector<16xf32>
      %broadcast_in_dim3A_53 = arith.constant 0.000000e+00 : f32
      %broadcast_in_dim3A_54 = vector.broadcast %broadcast_in_dim3A_53 : f32 to vector<16xf32>
      %broadcast_in_dim3A_55 = arith.constant 0.000000e+00 : f32
      %broadcast_in_dim3A_56 = vector.broadcast %broadcast_in_dim3A_55 : f32 to vector<16xf32>
      %scan3A_57 = arith.constant 0 : i32
      %scan3A_58 = arith.constant 50 : i32
      %scan3A_59 = arith.addi %scan3A_57, %scan3A_58 : i32
      %scan3A_60 = arith.constant 1 : i32
      %scan3A_61:4 = scf.for %scan3A_219 = %scan3A_57 to %scan3A_59 step %scan3A_60 iter_args(%scan3A_220 = %broadcast_in_dim3A_50, %scan3A_221 = %broadcast_in_dim3A_52, %scan3A_222 = %broadcast_in_dim3A_54, %scan3A_223 = %broadcast_in_dim3A_56) -> (vector<16xf32>, vector<16xf32>, vector<16xf32>, vector<16xf32>)  : i32 {
        %add3A_224 = arith.constant 0 : i32
        %add3A_225 = arith.addi %add3A_224, %scan3A_219 : i32
        %get3A = arith.constant 0 : i32
        %get3A_226 = arith.index_cast %get3A : i32 to index
        %get3A_227 = arith.index_cast %add3A_225 : i32 to index
        %get3A_228 = arith.constant 0 : index
        %get3A_229 = tpu.vector_load %arg6[%get3A_226, %get3A_227, %get3A_228] {strides = array<i32>} : memref<2x100x64xf32, #tpu.memory_space<vmem>>, vector<1x1x16xf32>,
        %get3A_230 = vector.shape_cast %get3A_229 : vector<1x1x16xf32> to vector<16xf32>
        %add3A_231 = arith.addf %scan3A_220, %get3A_230 : vector<16xf32>
        %get3A_232 = arith.constant 0 : i32
        %get3A_233 = arith.index_cast %get3A_232 : i32 to index
        %get3A_234 = arith.index_cast %add3A_225 : i32 to index
        %get3A_235 = arith.constant 16 : index
        %get3A_236 = tpu.vector_load %arg6[%get3A_233, %get3A_234, %get3A_235] {strides = array<i32>} : memref<2x100x64xf32, #tpu.memory_space<vmem>>, vector<1x1x16xf32>,
        %get3A_237 = vector.shape_cast %get3A_236 : vector<1x1x16xf32> to vector<16xf32>
        %add3A_238 = arith.addf %scan3A_221, %get3A_237 : vector<16xf32>
        %get3A_239 = arith.constant 0 : i32
        %get3A_240 = arith.index_cast %get3A_239 : i32 to index
        %get3A_241 = arith.index_cast %add3A_225 : i32 to index
        %get3A_242 = arith.constant 32 : index
        %get3A_243 = tpu.vector_load %arg6[%get3A_240, %get3A_241, %get3A_242] {strides = array<i32>} : memref<2x100x64xf32, #tpu.memory_space<vmem>>, vector<1x1x16xf32>,
        %get3A_244 = vector.shape_cast %get3A_243 : vector<1x1x16xf32> to vector<16xf32>
        %add3A_245 = arith.addf %scan3A_222, %get3A_244 : vector<16xf32>
        %get3A_246 = arith.constant 0 : i32
        %get3A_247 = arith.index_cast %get3A_246 : i32 to index
        %get3A_248 = arith.index_cast %add3A_225 : i32 to index
        %get3A_249 = arith.constant 48 : index
        %get3A_250 = tpu.vector_load %arg6[%get3A_247, %get3A_248, %get3A_249] {strides = array<i32>} : memref<2x100x64xf32, #tpu.memory_space<vmem>>, vector<1x1x16xf32>,
        %get3A_251 = vector.shape_cast %get3A_250 : vector<1x1x16xf32> to vector<16xf32>
        %add3A_252 = arith.addf %scan3A_223, %get3A_251 : vector<16xf32>
        scf.yield %add3A_231, %add3A_238, %add3A_245, %add3A_252 : vector<16xf32>, vector<16xf32>, vector<16xf32>, vector<16xf32>
      }
      %scan3A_62 = arith.constant 50 : i32
      %mul3A_63 = arith.constant 2 : i32
      %mul3A_64 = arith.muli %mul3A_25, %mul3A_63 : i32
      %add3A_65 = arith.constant 0 : i32
      %add3A_66 = arith.addi %mul3A_64, %add3A_65 : i32
      %swap3A = arith.index_cast %add3A_66 : i32 to index
      %swap3A_67 = arith.constant 0 : index
      %swap3A_68 = tpu.vector_load %arg7[%swap3A, %swap3A_67] {strides = array<i32>} : memref<512x64xf32, #tpu.memory_space<vmem>>, vector<1x16xf32>,
      %swap3A_69 = vector.shape_cast %swap3A_68 : vector<1x16xf32> to vector<16xf32>
      %swap3A_70 = vector.shape_cast %scan3A_61#0 : vector<16xf32> to vector<1x16xf32>
      tpu.vector_store %arg7[%swap3A, %swap3A_67], %swap3A_70 {strides = array<i32>} : memref<512x64xf32, #tpu.memory_space<vmem>>, vector<1x16xf32>,
      %swap3A_71 = arith.index_cast %add3A_66 : i32 to index
      %swap3A_72 = arith.constant 16 : index
      %swap3A_73 = tpu.vector_load %arg7[%swap3A_71, %swap3A_72] {strides = array<i32>} : memref<512x64xf32, #tpu.memory_space<vmem>>, vector<1x16xf32>,
      %swap3A_74 = vector.shape_cast %swap3A_73 : vector<1x16xf32> to vector<16xf32>
      %swap3A_75 = vector.shape_cast %scan3A_61#1 : vector<16xf32> to vector<1x16xf32>
      tpu.vector_store %arg7[%swap3A_71, %swap3A_72], %swap3A_75 {strides = array<i32>} : memref<512x64xf32, #tpu.memory_space<vmem>>, vector<1x16xf32>,
      %swap3A_76 = arith.index_cast %add3A_66 : i32 to index
      %swap3A_77 = arith.constant 32 : index
      %swap3A_78 = tpu.vector_load %arg7[%swap3A_76, %swap3A_77] {strides = array<i32>} : memref<512x64xf32, #tpu.memory_space<vmem>>, vector<1x16xf32>,
      %swap3A_79 = vector.shape_cast %swap3A_78 : vector<1x16xf32> to vector<16xf32>
      %swap3A_80 = vector.shape_cast %scan3A_61#2 : vector<16xf32> to vector<1x16xf32>
      tpu.vector_store %arg7[%swap3A_76, %swap3A_77], %swap3A_80 {strides = array<i32>} : memref<512x64xf32, #tpu.memory_space<vmem>>, vector<1x16xf32>,
      %swap3A_81 = arith.index_cast %add3A_66 : i32 to index
      %swap3A_82 = arith.constant 48 : index
      %swap3A_83 = tpu.vector_load %arg7[%swap3A_81, %swap3A_82] {strides = array<i32>} : memref<512x64xf32, #tpu.memory_space<vmem>>, vector<1x16xf32>,
      %swap3A_84 = vector.shape_cast %swap3A_83 : vector<1x16xf32> to vector<16xf32>
      %swap3A_85 = vector.shape_cast %scan3A_61#3 : vector<16xf32> to vector<1x16xf32>
      tpu.vector_store %arg7[%swap3A_81, %swap3A_82], %swap3A_85 {strides = array<i32>} : memref<512x64xf32, #tpu.memory_space<vmem>>, vector<1x16xf32>,
      %broadcast_in_dim3A_86 = arith.constant 0.000000e+00 : f32
      %broadcast_in_dim3A_87 = vector.broadcast %broadcast_in_dim3A_86 : f32 to vector<16xf32>
      %broadcast_in_dim3A_88 = arith.constant 0.000000e+00 : f32
      %broadcast_in_dim3A_89 = vector.broadcast %broadcast_in_dim3A_88 : f32 to vector<16xf32>
      %broadcast_in_dim3A_90 = arith.constant 0.000000e+00 : f32
      %broadcast_in_dim3A_91 = vector.broadcast %broadcast_in_dim3A_90 : f32 to vector<16xf32>
      %broadcast_in_dim3A_92 = arith.constant 0.000000e+00 : f32
      %broadcast_in_dim3A_93 = vector.broadcast %broadcast_in_dim3A_92 : f32 to vector<16xf32>
      %scan3A_94 = arith.constant 0 : i32
      %scan3A_95 = arith.constant 50 : i32
      %scan3A_96 = arith.addi %scan3A_94, %scan3A_95 : i32
      %scan3A_97 = arith.constant 1 : i32
      %scan3A_98:4 = scf.for %scan3A_219 = %scan3A_94 to %scan3A_96 step %scan3A_97 iter_args(%scan3A_220 = %broadcast_in_dim3A_87, %scan3A_221 = %broadcast_in_dim3A_89, %scan3A_222 = %broadcast_in_dim3A_91, %scan3A_223 = %broadcast_in_dim3A_93) -> (vector<16xf32>, vector<16xf32>, vector<16xf32>, vector<16xf32>)  : i32 {
        %add3A_224 = arith.constant 50 : i32
        %add3A_225 = arith.addi %add3A_224, %scan3A_219 : i32
        %get3A = arith.constant 0 : i32
        %get3A_226 = arith.index_cast %get3A : i32 to index
        %get3A_227 = arith.index_cast %add3A_225 : i32 to index
        %get3A_228 = arith.constant 0 : index
        %get3A_229 = tpu.vector_load %arg6[%get3A_226, %get3A_227, %get3A_228] {strides = array<i32>} : memref<2x100x64xf32, #tpu.memory_space<vmem>>, vector<1x1x16xf32>,
        %get3A_230 = vector.shape_cast %get3A_229 : vector<1x1x16xf32> to vector<16xf32>
        %add3A_231 = arith.addf %scan3A_220, %get3A_230 : vector<16xf32>
        %get3A_232 = arith.constant 0 : i32
        %get3A_233 = arith.index_cast %get3A_232 : i32 to index
        %get3A_234 = arith.index_cast %add3A_225 : i32 to index
        %get3A_235 = arith.constant 16 : index
        %get3A_236 = tpu.vector_load %arg6[%get3A_233, %get3A_234, %get3A_235] {strides = array<i32>} : memref<2x100x64xf32, #tpu.memory_space<vmem>>, vector<1x1x16xf32>,
        %get3A_237 = vector.shape_cast %get3A_236 : vector<1x1x16xf32> to vector<16xf32>
        %add3A_238 = arith.addf %scan3A_221, %get3A_237 : vector<16xf32>
        %get3A_239 = arith.constant 0 : i32
        %get3A_240 = arith.index_cast %get3A_239 : i32 to index
        %get3A_241 = arith.index_cast %add3A_225 : i32 to index
        %get3A_242 = arith.constant 32 : index
        %get3A_243 = tpu.vector_load %arg6[%get3A_240, %get3A_241, %get3A_242] {strides = array<i32>} : memref<2x100x64xf32, #tpu.memory_space<vmem>>, vector<1x1x16xf32>,
        %get3A_244 = vector.shape_cast %get3A_243 : vector<1x1x16xf32> to vector<16xf32>
        %add3A_245 = arith.addf %scan3A_222, %get3A_244 : vector<16xf32>
        %get3A_246 = arith.constant 0 : i32
        %get3A_247 = arith.index_cast %get3A_246 : i32 to index
        %get3A_248 = arith.index_cast %add3A_225 : i32 to index
        %get3A_249 = arith.constant 48 : index
        %get3A_250 = tpu.vector_load %arg6[%get3A_247, %get3A_248, %get3A_249] {strides = array<i32>} : memref<2x100x64xf32, #tpu.memory_space<vmem>>, vector<1x1x16xf32>,
        %get3A_251 = vector.shape_cast %get3A_250 : vector<1x1x16xf32> to vector<16xf32>
        %add3A_252 = arith.addf %scan3A_223, %get3A_251 : vector<16xf32>
        scf.yield %add3A_231, %add3A_238, %add3A_245, %add3A_252 : vector<16xf32>, vector<16xf32>, vector<16xf32>, vector<16xf32>
      }
      %scan3A_99 = arith.constant 50 : i32
      %mul3A_100 = arith.constant 2 : i32
      %mul3A_101 = arith.muli %mul3A_25, %mul3A_100 : i32
      %add3A_102 = arith.constant 1 : i32
      %add3A_103 = arith.addi %mul3A_101, %add3A_102 : i32
      %swap3A_104 = arith.index_cast %add3A_103 : i32 to index
      %swap3A_105 = arith.constant 0 : index
      %swap3A_106 = tpu.vector_load %arg7[%swap3A_104, %swap3A_105] {strides = array<i32>} : memref<512x64xf32, #tpu.memory_space<vmem>>, vector<1x16xf32>,
      %swap3A_107 = vector.shape_cast %swap3A_106 : vector<1x16xf32> to vector<16xf32>
      %swap3A_108 = vector.shape_cast %scan3A_98#0 : vector<16xf32> to vector<1x16xf32>
      tpu.vector_store %arg7[%swap3A_104, %swap3A_105], %swap3A_108 {strides = array<i32>} : memref<512x64xf32, #tpu.memory_space<vmem>>, vector<1x16xf32>,
      %swap3A_109 = arith.index_cast %add3A_103 : i32 to index
      %swap3A_110 = arith.constant 16 : index
      %swap3A_111 = tpu.vector_load %arg7[%swap3A_109, %swap3A_110] {strides = array<i32>} : memref<512x64xf32, #tpu.memory_space<vmem>>, vector<1x16xf32>,
      %swap3A_112 = vector.shape_cast %swap3A_111 : vector<1x16xf32> to vector<16xf32>
      %swap3A_113 = vector.shape_cast %scan3A_98#1 : vector<16xf32> to vector<1x16xf32>
      tpu.vector_store %arg7[%swap3A_109, %swap3A_110], %swap3A_113 {strides = array<i32>} : memref<512x64xf32, #tpu.memory_space<vmem>>, vector<1x16xf32>,
      %swap3A_114 = arith.index_cast %add3A_103 : i32 to index
      %swap3A_115 = arith.constant 32 : index
      %swap3A_116 = tpu.vector_load %arg7[%swap3A_114, %swap3A_115] {strides = array<i32>} : memref<512x64xf32, #tpu.memory_space<vmem>>, vector<1x16xf32>,
      %swap3A_117 = vector.shape_cast %swap3A_116 : vector<1x16xf32> to vector<16xf32>
      %swap3A_118 = vector.shape_cast %scan3A_98#2 : vector<16xf32> to vector<1x16xf32>
      tpu.vector_store %arg7[%swap3A_114, %swap3A_115], %swap3A_118 {strides = array<i32>} : memref<512x64xf32, #tpu.memory_space<vmem>>, vector<1x16xf32>,
      %swap3A_119 = arith.index_cast %add3A_103 : i32 to index
      %swap3A_120 = arith.constant 48 : index
      %swap3A_121 = tpu.vector_load %arg7[%swap3A_119, %swap3A_120] {strides = array<i32>} : memref<512x64xf32, #tpu.memory_space<vmem>>, vector<1x16xf32>,
      %swap3A_122 = vector.shape_cast %swap3A_121 : vector<1x16xf32> to vector<16xf32>
      %swap3A_123 = vector.shape_cast %scan3A_98#3 : vector<16xf32> to vector<1x16xf32>
      tpu.vector_store %arg7[%swap3A_119, %swap3A_120], %swap3A_123 {strides = array<i32>} : memref<512x64xf32, #tpu.memory_space<vmem>>, vector<1x16xf32>,
      %add3A_124 = arith.constant 1 : i32
      %add3A_125 = arith.addi %scan3A_22, %add3A_124 : i32
      %lt3A = arith.constant 128 : i32
      %lt3A_126 = arith.cmpi slt, %add3A_125, %lt3A : i32
      %convert_element_type3A = arith.extui %lt3A_126 : i1 to i32
      %cond3A = arith.constant 0 : i32
      %cond3A_127 = arith.cmpi ne, %convert_element_type3A, %cond3A : i32
      scf.if %cond3A_127 {
        %add3A_219 = arith.constant 2 : i32
        %add3A_220 = arith.addi %mul3A_25, %add3A_219 : i32
        %dma_start3A_221 = arith.constant 0 : i32
        %dma_start3A_222 = arith.constant 0 : i32
        %dma_start3A_223 = arith.constant 0 : i32
        %dma_start3A_224 = tpu.memref_slice %arg6[%dma_start3A_221, %dma_start3A_222, %dma_start3A_223] : memref<2x100x64xf32, #tpu.memory_space<vmem>> -> memref<1x100x64xf32, #tpu.memory_space<vmem>>
        %dma_start3A_225 = tpu.memref_squeeze %dma_start3A_224 : memref<1x100x64xf32, #tpu.memory_space<vmem>> -> memref<100x64xf32, #tpu.memory_space<vmem>>
        %dma_start3A_226 = arith.constant 0 : i32
        %dma_start3A_227 = tpu.memref_slice %arg5[%add3A_220, %dma_start3A_226] : memref<256x100xi32, #tpu.memory_space<vmem>> -> memref<1x100xi32, #tpu.memory_space<vmem>>
        %dma_start3A_228 = tpu.memref_squeeze %dma_start3A_227 : memref<1x100xi32, #tpu.memory_space<vmem>> -> memref<100xi32, #tpu.memory_space<vmem>>
        %dma_start3A_229 = arith.constant 0 : i32
        %dma_start3A_230 = arith.constant 0 : i32
        %dma_start3A_231 = tpu.memref_slice %arg3[%dma_start3A_229, %dma_start3A_230] : memref<1007616x64xf32, #tpu.memory_space<hbm>> -> memref<1007616x64xf32, #tpu.memory_space<hbm>>
        tpu.enqueue_indirect_dma source(%dma_start3A_231 : memref<1007616x64xf32, #tpu.memory_space<hbm>>) target(%dma_start3A_225 : memref<100x64xf32, #tpu.memory_space<vmem>>) offsets(%dma_start3A_228 : memref<100xi32, #tpu.memory_space<vmem>>) semaphore(%arg8 : memref<!tpu.dma_semaphore, #tpu.memory_space<semaphore_mem>>)
      } else {
      }
      %dma_wait3A_128 = arith.constant 0 : i32
      %dma_wait3A_129 = arith.constant 1 : i32
      %dma_wait3A_130 = arith.constant 0 : i32
      %dma_wait3A_131 = arith.constant 0 : i32
      %dma_wait3A_132 = tpu.memref_slice %arg6[%dma_wait3A_129, %dma_wait3A_130, %dma_wait3A_131] : memref<2x100x64xf32, #tpu.memory_space<vmem>> -> memref<1x100x64xf32, #tpu.memory_space<vmem>>
      %dma_wait3A_133 = tpu.memref_squeeze %dma_wait3A_132 : memref<1x100x64xf32, #tpu.memory_space<vmem>> -> memref<100x64xf32, #tpu.memory_space<vmem>>
      %dma_wait3A_134 = arith.constant 0 : i32
      %dma_wait3A_135 = tpu.memref_slice %arg5[%dma_wait3A_128, %dma_wait3A_134] : memref<256x100xi32, #tpu.memory_space<vmem>> -> memref<1x100xi32, #tpu.memory_space<vmem>>
      %dma_wait3A_136 = tpu.memref_squeeze %dma_wait3A_135 : memref<1x100xi32, #tpu.memory_space<vmem>> -> memref<100xi32, #tpu.memory_space<vmem>>
      %dma_wait3A_137 = arith.constant 0 : i32
      %dma_wait3A_138 = arith.constant 0 : i32
      %dma_wait3A_139 = tpu.memref_slice %arg3[%dma_wait3A_137, %dma_wait3A_138] : memref<1007616x64xf32, #tpu.memory_space<hbm>> -> memref<1007616x64xf32, #tpu.memory_space<hbm>>
      tpu.wait_indirect_dma semaphore(%arg9 : memref<!tpu.dma_semaphore, #tpu.memory_space<semaphore_mem>>) src(%dma_wait3A_139 : memref<1007616x64xf32, #tpu.memory_space<hbm>>) dst(%dma_wait3A_133 : memref<100x64xf32, #tpu.memory_space<vmem>>)
      %add3A_140 = arith.constant 1 : i32
      %add3A_141 = arith.addi %mul3A_25, %add3A_140 : i32
      %broadcast_in_dim3A_142 = arith.constant 0.000000e+00 : f32
      %broadcast_in_dim3A_143 = vector.broadcast %broadcast_in_dim3A_142 : f32 to vector<16xf32>
      %broadcast_in_dim3A_144 = arith.constant 0.000000e+00 : f32
      %broadcast_in_dim3A_145 = vector.broadcast %broadcast_in_dim3A_144 : f32 to vector<16xf32>
      %broadcast_in_dim3A_146 = arith.constant 0.000000e+00 : f32
      %broadcast_in_dim3A_147 = vector.broadcast %broadcast_in_dim3A_146 : f32 to vector<16xf32>
      %broadcast_in_dim3A_148 = arith.constant 0.000000e+00 : f32
      %broadcast_in_dim3A_149 = vector.broadcast %broadcast_in_dim3A_148 : f32 to vector<16xf32>
      %scan3A_150 = arith.constant 0 : i32
      %scan3A_151 = arith.constant 50 : i32
      %scan3A_152 = arith.addi %scan3A_150, %scan3A_151 : i32
      %scan3A_153 = arith.constant 1 : i32
      %scan3A_154:4 = scf.for %scan3A_219 = %scan3A_150 to %scan3A_152 step %scan3A_153 iter_args(%scan3A_220 = %broadcast_in_dim3A_143, %scan3A_221 = %broadcast_in_dim3A_145, %scan3A_222 = %broadcast_in_dim3A_147, %scan3A_223 = %broadcast_in_dim3A_149) -> (vector<16xf32>, vector<16xf32>, vector<16xf32>, vector<16xf32>)  : i32 {
        %add3A_224 = arith.constant 0 : i32
        %add3A_225 = arith.addi %add3A_224, %scan3A_219 : i32
        %get3A = arith.constant 1 : i32
        %get3A_226 = arith.index_cast %get3A : i32 to index
        %get3A_227 = arith.index_cast %add3A_225 : i32 to index
        %get3A_228 = arith.constant 0 : index
        %get3A_229 = tpu.vector_load %arg6[%get3A_226, %get3A_227, %get3A_228] {strides = array<i32>} : memref<2x100x64xf32, #tpu.memory_space<vmem>>, vector<1x1x16xf32>,
        %get3A_230 = vector.shape_cast %get3A_229 : vector<1x1x16xf32> to vector<16xf32>
        %add3A_231 = arith.addf %scan3A_220, %get3A_230 : vector<16xf32>
        %get3A_232 = arith.constant 1 : i32
        %get3A_233 = arith.index_cast %get3A_232 : i32 to index
        %get3A_234 = arith.index_cast %add3A_225 : i32 to index
        %get3A_235 = arith.constant 16 : index
        %get3A_236 = tpu.vector_load %arg6[%get3A_233, %get3A_234, %get3A_235] {strides = array<i32>} : memref<2x100x64xf32, #tpu.memory_space<vmem>>, vector<1x1x16xf32>,
        %get3A_237 = vector.shape_cast %get3A_236 : vector<1x1x16xf32> to vector<16xf32>
        %add3A_238 = arith.addf %scan3A_221, %get3A_237 : vector<16xf32>
        %get3A_239 = arith.constant 1 : i32
        %get3A_240 = arith.index_cast %get3A_239 : i32 to index
        %get3A_241 = arith.index_cast %add3A_225 : i32 to index
        %get3A_242 = arith.constant 32 : index
        %get3A_243 = tpu.vector_load %arg6[%get3A_240, %get3A_241, %get3A_242] {strides = array<i32>} : memref<2x100x64xf32, #tpu.memory_space<vmem>>, vector<1x1x16xf32>,
        %get3A_244 = vector.shape_cast %get3A_243 : vector<1x1x16xf32> to vector<16xf32>
        %add3A_245 = arith.addf %scan3A_222, %get3A_244 : vector<16xf32>
        %get3A_246 = arith.constant 1 : i32
        %get3A_247 = arith.index_cast %get3A_246 : i32 to index
        %get3A_248 = arith.index_cast %add3A_225 : i32 to index
        %get3A_249 = arith.constant 48 : index
        %get3A_250 = tpu.vector_load %arg6[%get3A_247, %get3A_248, %get3A_249] {strides = array<i32>} : memref<2x100x64xf32, #tpu.memory_space<vmem>>, vector<1x1x16xf32>,
        %get3A_251 = vector.shape_cast %get3A_250 : vector<1x1x16xf32> to vector<16xf32>
        %add3A_252 = arith.addf %scan3A_223, %get3A_251 : vector<16xf32>
        scf.yield %add3A_231, %add3A_238, %add3A_245, %add3A_252 : vector<16xf32>, vector<16xf32>, vector<16xf32>, vector<16xf32>
      }
      %scan3A_155 = arith.constant 50 : i32
      %mul3A_156 = arith.constant 2 : i32
      %mul3A_157 = arith.muli %add3A_141, %mul3A_156 : i32
      %add3A_158 = arith.constant 0 : i32
      %add3A_159 = arith.addi %mul3A_157, %add3A_158 : i32
      %swap3A_160 = arith.index_cast %add3A_159 : i32 to index
      %swap3A_161 = arith.constant 0 : index
      %swap3A_162 = tpu.vector_load %arg7[%swap3A_160, %swap3A_161] {strides = array<i32>} : memref<512x64xf32, #tpu.memory_space<vmem>>, vector<1x16xf32>,
      %swap3A_163 = vector.shape_cast %swap3A_162 : vector<1x16xf32> to vector<16xf32>
      %swap3A_164 = vector.shape_cast %scan3A_154#0 : vector<16xf32> to vector<1x16xf32>
      tpu.vector_store %arg7[%swap3A_160, %swap3A_161], %swap3A_164 {strides = array<i32>} : memref<512x64xf32, #tpu.memory_space<vmem>>, vector<1x16xf32>,
      %swap3A_165 = arith.index_cast %add3A_159 : i32 to index
      %swap3A_166 = arith.constant 16 : index
      %swap3A_167 = tpu.vector_load %arg7[%swap3A_165, %swap3A_166] {strides = array<i32>} : memref<512x64xf32, #tpu.memory_space<vmem>>, vector<1x16xf32>,
      %swap3A_168 = vector.shape_cast %swap3A_167 : vector<1x16xf32> to vector<16xf32>
      %swap3A_169 = vector.shape_cast %scan3A_154#1 : vector<16xf32> to vector<1x16xf32>
      tpu.vector_store %arg7[%swap3A_165, %swap3A_166], %swap3A_169 {strides = array<i32>} : memref<512x64xf32, #tpu.memory_space<vmem>>, vector<1x16xf32>,
      %swap3A_170 = arith.index_cast %add3A_159 : i32 to index
      %swap3A_171 = arith.constant 32 : index
      %swap3A_172 = tpu.vector_load %arg7[%swap3A_170, %swap3A_171] {strides = array<i32>} : memref<512x64xf32, #tpu.memory_space<vmem>>, vector<1x16xf32>,
      %swap3A_173 = vector.shape_cast %swap3A_172 : vector<1x16xf32> to vector<16xf32>
      %swap3A_174 = vector.shape_cast %scan3A_154#2 : vector<16xf32> to vector<1x16xf32>
      tpu.vector_store %arg7[%swap3A_170, %swap3A_171], %swap3A_174 {strides = array<i32>} : memref<512x64xf32, #tpu.memory_space<vmem>>, vector<1x16xf32>,
      %swap3A_175 = arith.index_cast %add3A_159 : i32 to index
      %swap3A_176 = arith.constant 48 : index
      %swap3A_177 = tpu.vector_load %arg7[%swap3A_175, %swap3A_176] {strides = array<i32>} : memref<512x64xf32, #tpu.memory_space<vmem>>, vector<1x16xf32>,
      %swap3A_178 = vector.shape_cast %swap3A_177 : vector<1x16xf32> to vector<16xf32>
      %swap3A_179 = vector.shape_cast %scan3A_154#3 : vector<16xf32> to vector<1x16xf32>
      tpu.vector_store %arg7[%swap3A_175, %swap3A_176], %swap3A_179 {strides = array<i32>} : memref<512x64xf32, #tpu.memory_space<vmem>>, vector<1x16xf32>,
      %broadcast_in_dim3A_180 = arith.constant 0.000000e+00 : f32
      %broadcast_in_dim3A_181 = vector.broadcast %broadcast_in_dim3A_180 : f32 to vector<16xf32>
      %broadcast_in_dim3A_182 = arith.constant 0.000000e+00 : f32
      %broadcast_in_dim3A_183 = vector.broadcast %broadcast_in_dim3A_182 : f32 to vector<16xf32>
      %broadcast_in_dim3A_184 = arith.constant 0.000000e+00 : f32
      %broadcast_in_dim3A_185 = vector.broadcast %broadcast_in_dim3A_184 : f32 to vector<16xf32>
      %broadcast_in_dim3A_186 = arith.constant 0.000000e+00 : f32
      %broadcast_in_dim3A_187 = vector.broadcast %broadcast_in_dim3A_186 : f32 to vector<16xf32>
      %scan3A_188 = arith.constant 0 : i32
      %scan3A_189 = arith.constant 50 : i32
      %scan3A_190 = arith.addi %scan3A_188, %scan3A_189 : i32
      %scan3A_191 = arith.constant 1 : i32
      %scan3A_192:4 = scf.for %scan3A_219 = %scan3A_188 to %scan3A_190 step %scan3A_191 iter_args(%scan3A_220 = %broadcast_in_dim3A_181, %scan3A_221 = %broadcast_in_dim3A_183, %scan3A_222 = %broadcast_in_dim3A_185, %scan3A_223 = %broadcast_in_dim3A_187) -> (vector<16xf32>, vector<16xf32>, vector<16xf32>, vector<16xf32>)  : i32 {
        %add3A_224 = arith.constant 50 : i32
        %add3A_225 = arith.addi %add3A_224, %scan3A_219 : i32
        %get3A = arith.constant 1 : i32
        %get3A_226 = arith.index_cast %get3A : i32 to index
        %get3A_227 = arith.index_cast %add3A_225 : i32 to index
        %get3A_228 = arith.constant 0 : index
        %get3A_229 = tpu.vector_load %arg6[%get3A_226, %get3A_227, %get3A_228] {strides = array<i32>} : memref<2x100x64xf32, #tpu.memory_space<vmem>>, vector<1x1x16xf32>,
        %get3A_230 = vector.shape_cast %get3A_229 : vector<1x1x16xf32> to vector<16xf32>
        %add3A_231 = arith.addf %scan3A_220, %get3A_230 : vector<16xf32>
        %get3A_232 = arith.constant 1 : i32
        %get3A_233 = arith.index_cast %get3A_232 : i32 to index
        %get3A_234 = arith.index_cast %add3A_225 : i32 to index
        %get3A_235 = arith.constant 16 : index
        %get3A_236 = tpu.vector_load %arg6[%get3A_233, %get3A_234, %get3A_235] {strides = array<i32>} : memref<2x100x64xf32, #tpu.memory_space<vmem>>, vector<1x1x16xf32>,
        %get3A_237 = vector.shape_cast %get3A_236 : vector<1x1x16xf32> to vector<16xf32>
        %add3A_238 = arith.addf %scan3A_221, %get3A_237 : vector<16xf32>
        %get3A_239 = arith.constant 1 : i32
        %get3A_240 = arith.index_cast %get3A_239 : i32 to index
        %get3A_241 = arith.index_cast %add3A_225 : i32 to index
        %get3A_242 = arith.constant 32 : index
        %get3A_243 = tpu.vector_load %arg6[%get3A_240, %get3A_241, %get3A_242] {strides = array<i32>} : memref<2x100x64xf32, #tpu.memory_space<vmem>>, vector<1x1x16xf32>,
        %get3A_244 = vector.shape_cast %get3A_243 : vector<1x1x16xf32> to vector<16xf32>
        %add3A_245 = arith.addf %scan3A_222, %get3A_244 : vector<16xf32>
        %get3A_246 = arith.constant 1 : i32
        %get3A_247 = arith.index_cast %get3A_246 : i32 to index
        %get3A_248 = arith.index_cast %add3A_225 : i32 to index
        %get3A_249 = arith.constant 48 : index
        %get3A_250 = tpu.vector_load %arg6[%get3A_247, %get3A_248, %get3A_249] {strides = array<i32>} : memref<2x100x64xf32, #tpu.memory_space<vmem>>, vector<1x1x16xf32>,
        %get3A_251 = vector.shape_cast %get3A_250 : vector<1x1x16xf32> to vector<16xf32>
        %add3A_252 = arith.addf %scan3A_223, %get3A_251 : vector<16xf32>
        scf.yield %add3A_231, %add3A_238, %add3A_245, %add3A_252 : vector<16xf32>, vector<16xf32>, vector<16xf32>, vector<16xf32>
      }
      %scan3A_193 = arith.constant 50 : i32
      %mul3A_194 = arith.constant 2 : i32
      %mul3A_195 = arith.muli %add3A_141, %mul3A_194 : i32
      %add3A_196 = arith.constant 1 : i32
      %add3A_197 = arith.addi %mul3A_195, %add3A_196 : i32
      %swap3A_198 = arith.index_cast %add3A_197 : i32 to index
      %swap3A_199 = arith.constant 0 : index
      %swap3A_200 = tpu.vector_load %arg7[%swap3A_198, %swap3A_199] {strides = array<i32>} : memref<512x64xf32, #tpu.memory_space<vmem>>, vector<1x16xf32>,
      %swap3A_201 = vector.shape_cast %swap3A_200 : vector<1x16xf32> to vector<16xf32>
      %swap3A_202 = vector.shape_cast %scan3A_192#0 : vector<16xf32> to vector<1x16xf32>
      tpu.vector_store %arg7[%swap3A_198, %swap3A_199], %swap3A_202 {strides = array<i32>} : memref<512x64xf32, #tpu.memory_space<vmem>>, vector<1x16xf32>,
      %swap3A_203 = arith.index_cast %add3A_197 : i32 to index
      %swap3A_204 = arith.constant 16 : index
      %swap3A_205 = tpu.vector_load %arg7[%swap3A_203, %swap3A_204] {strides = array<i32>} : memref<512x64xf32, #tpu.memory_space<vmem>>, vector<1x16xf32>,
      %swap3A_206 = vector.shape_cast %swap3A_205 : vector<1x16xf32> to vector<16xf32>
      %swap3A_207 = vector.shape_cast %scan3A_192#1 : vector<16xf32> to vector<1x16xf32>
      tpu.vector_store %arg7[%swap3A_203, %swap3A_204], %swap3A_207 {strides = array<i32>} : memref<512x64xf32, #tpu.memory_space<vmem>>, vector<1x16xf32>,
      %swap3A_208 = arith.index_cast %add3A_197 : i32 to index
      %swap3A_209 = arith.constant 32 : index
      %swap3A_210 = tpu.vector_load %arg7[%swap3A_208, %swap3A_209] {strides = array<i32>} : memref<512x64xf32, #tpu.memory_space<vmem>>, vector<1x16xf32>,
      %swap3A_211 = vector.shape_cast %swap3A_210 : vector<1x16xf32> to vector<16xf32>
      %swap3A_212 = vector.shape_cast %scan3A_192#2 : vector<16xf32> to vector<1x16xf32>
      tpu.vector_store %arg7[%swap3A_208, %swap3A_209], %swap3A_212 {strides = array<i32>} : memref<512x64xf32, #tpu.memory_space<vmem>>, vector<1x16xf32>,
      %swap3A_213 = arith.index_cast %add3A_197 : i32 to index
      %swap3A_214 = arith.constant 48 : index
      %swap3A_215 = tpu.vector_load %arg7[%swap3A_213, %swap3A_214] {strides = array<i32>} : memref<512x64xf32, #tpu.memory_space<vmem>>, vector<1x16xf32>,
      %swap3A_216 = vector.shape_cast %swap3A_215 : vector<1x16xf32> to vector<16xf32>
      %swap3A_217 = vector.shape_cast %scan3A_192#3 : vector<16xf32> to vector<1x16xf32>
      tpu.vector_store %arg7[%swap3A_213, %swap3A_214], %swap3A_217 {strides = array<i32>} : memref<512x64xf32, #tpu.memory_space<vmem>>, vector<1x16xf32>,
      %scan3A_218 = arith.constant 0 : i32
      scf.yield %scan3A_218 : i32
    }
    %scan3A_19 = arith.constant 128 : i32
    %mul3A_20 = arith.constant 512 : i32
    %mul3A_21 = arith.muli %add3A, %mul3A_20 : i32
    "tpu.region"() ({
      %run_scoped3A = tpu.sem_alloc : memref<!tpu.dma_semaphore, #tpu.memory_space<semaphore_mem>>
      %dma_start3A_22 = arith.constant 0 : i32
      %dma_start3A_23 = tpu.memref_slice %arg4[%mul3A_21, %dma_start3A_22] : memref<16384x64xf32, #tpu.memory_space<hbm>> -> memref<512x64xf32, #tpu.memory_space<hbm>>
      %dma_start3A_24 = arith.constant 0 : i32
      %dma_start3A_25 = tpu.memref_slice %arg4[%mul3A_21, %dma_start3A_24] : memref<16384x64xf32, #tpu.memory_space<hbm>> -> memref<512x64xf32, #tpu.memory_space<hbm>>
      tpu.enqueue_dma source(%arg7 : memref<512x64xf32, #tpu.memory_space<vmem>>) target(%dma_start3A_25 : memref<512x64xf32, #tpu.memory_space<hbm>>) target_semaphore(%run_scoped3A : memref<!tpu.dma_semaphore, #tpu.memory_space<semaphore_mem>>)
      %dma_wait3A = arith.constant 0 : i32
      %dma_wait3A_26 = tpu.memref_slice %arg4[%mul3A_21, %dma_wait3A] : memref<16384x64xf32, #tpu.memory_space<hbm>> -> memref<512x64xf32, #tpu.memory_space<hbm>>
      %dma_wait3A_27 = arith.constant 0 : i32
      %dma_wait3A_28 = tpu.memref_slice %arg4[%mul3A_21, %dma_wait3A_27] : memref<16384x64xf32, #tpu.memory_space<hbm>> -> memref<512x64xf32, #tpu.memory_space<hbm>>
      tpu.wait_dma2 semaphore(%run_scoped3A : memref<!tpu.dma_semaphore, #tpu.memory_space<semaphore_mem>>) src(%arg7 : memref<512x64xf32, #tpu.memory_space<vmem>>) dst(%dma_wait3A_28 : memref<512x64xf32, #tpu.memory_space<hbm>>)
      tpu.yield
    }) : () -> ()
    return
  }
}

module attributes {stable_mosaic.version = 14 : i64} {
  func.func @body(%arg0: i32, %arg1: memref<64x8192xf32, #tpu.memory_space<vmem>>, %arg2: memref<64x64xbf16, #tpu.memory_space<vmem>>, %arg3: memref<4096x128xf32, #tpu.memory_space<vmem>>) attributes {dimension_semantics = [#tpu.dimension_semantics<arbitrary>], iteration_bounds = array<i64: 123>, scalar_prefetch = 0 : i64, scratch_operands = 0 : i64, tpu.core_type = #tpu.core_type<tc>, window_params = [{transform_indices = @transform_0, window_bounds = array<i64: 64, 8192>}, {pipeline_mode = #tpu.pipeline_mode<synchronous>, transform_indices = @transform_1, window_bounds = array<i64: 64, 64>}, {transform_indices = @transform_2, window_bounds = array<i64: 4096, 128>}]} {
    %get3A = arith.constant 0 : index
    %get3A_0 = arith.constant 0 : index
    %get3A_1 = vector.load %arg1[%get3A, %get3A_0] : memref<64x8192xf32, #tpu.memory_space<vmem>>, vector<64x8192xf32>
    %convert_element_type3A = arith.truncf %get3A_1 : vector<64x8192xf32> to vector<64x8192xbf16>
    %get3A_2 = arith.constant 0 : index
    %get3A_3 = arith.constant 0 : index
    %get3A_4 = vector.load %arg2[%get3A_2, %get3A_3] : memref<64x64xbf16, #tpu.memory_space<vmem>>, vector<64x64xbf16>
    %slice3A = vector.extract_strided_slice %convert_element_type3A {offsets = [0, 0], sizes = [64, 4096], strides = [1, 1]} : vector<64x8192xbf16> to vector<64x4096xbf16>
    %dot_general3A = arith.constant dense<0.000000e+00> : vector<4096x64xf32>
    %dot_general3A_5 = tpu.matmul %slice3A, %get3A_4, %dot_general3A {dimension_numbers = #tpu.dot_dimension_numbers<[0], [0], [1], [1], [0, 1, 1, 1], [], []>, transpose_lhs_hint = false} : vector<64x4096xbf16>, vector<64x64xbf16>, vector<4096x64xf32> -> vector<4096x64xf32>
    %swap3A = arith.constant 0 : index
    %swap3A_6 = arith.constant 0 : index
    %swap3A_7 = vector.load %arg3[%swap3A, %swap3A_6] : memref<4096x128xf32, #tpu.memory_space<vmem>>, vector<4096x64xf32>
    tpu.vector_store %arg3[%swap3A, %swap3A_6], %dot_general3A_5 {strides = array<i32>} : memref<4096x128xf32, #tpu.memory_space<vmem>>, vector<4096x64xf32>,
    %slice3A_8 = vector.extract_strided_slice %convert_element_type3A {offsets = [0, 4096], sizes = [64, 4096], strides = [1, 1]} : vector<64x8192xbf16> to vector<64x4096xbf16>
    %dot_general3A_9 = arith.constant dense<0.000000e+00> : vector<4096x64xf32>
    %dot_general3A_10 = tpu.matmul %slice3A_8, %get3A_4, %dot_general3A_9 {dimension_numbers = #tpu.dot_dimension_numbers<[0], [0], [1], [1], [0, 1, 1, 1], [], []>, transpose_lhs_hint = false} : vector<64x4096xbf16>, vector<64x64xbf16>, vector<4096x64xf32> -> vector<4096x64xf32>
    %swap3A_11 = arith.constant 0 : index
    %swap3A_12 = arith.constant 64 : index
    %swap3A_13 = vector.load %arg3[%swap3A_11, %swap3A_12] : memref<4096x128xf32, #tpu.memory_space<vmem>>, vector<4096x64xf32>
    tpu.vector_store %arg3[%swap3A_11, %swap3A_12], %dot_general3A_10 {strides = array<i32>} : memref<4096x128xf32, #tpu.memory_space<vmem>>, vector<4096x64xf32>,
    return
  }
  func.func @transform_0(%arg0: i32) -> (i32, i32) {
    %c0_i32 = arith.constant 0 : i32
    %c0_i32_0 = arith.constant 0 : i32
    return %c0_i32, %arg0 : i32, i32
  }
  func.func @transform_1(%arg0: i32) -> (i32, i32) {
    %c0_i32 = arith.constant 0 : i32
    %c0_i32_0 = arith.constant 0 : i32
    %c0_i32_1 = arith.constant 0 : i32
    return %c0_i32, %c0_i32_0 : i32, i32
  }
  func.func @transform_2(%arg0: i32) -> (i32, i32) {
    %c0_i32 = arith.constant 0 : i32
    %c0_i32_0 = arith.constant 0 : i32
    return %arg0, %c0_i32 : i32, i32
  }
}

module attributes {stable_mosaic.version = 14 : i64} {
  func.func @body(%arg0: i32, %arg1: memref<2048x64xf32, #tpu.memory_space<vmem>>, %arg2: memref<128x64xf32, #tpu.memory_space<vmem>>, %arg3: memref<2048x128xf32, #tpu.memory_space<vmem>>) attributes {dimension_semantics = [#tpu.dimension_semantics<arbitrary>], iteration_bounds = array<i64: 8>, scalar_prefetch = 0 : i64, scratch_operands = 0 : i64, tpu.core_type = #tpu.core_type<tc>, window_params = [{transform_indices = @transform_0, window_bounds = array<i64: 2048, 64>}, {pipeline_mode = #tpu.pipeline_mode<synchronous>, transform_indices = @transform_1, window_bounds = array<i64: 128, 64>}, {transform_indices = @transform_2, window_bounds = array<i64: 2048, 128>}]} {
    %get3A = arith.constant 0 : index
    %get3A_0 = arith.constant 0 : index
    %get3A_1 = vector.load %arg1[%get3A, %get3A_0] : memref<2048x64xf32, #tpu.memory_space<vmem>>, vector<2048x64xf32>
    %get3A_2 = arith.constant 0 : index
    %get3A_3 = arith.constant 0 : index
    %get3A_4 = vector.load %arg2[%get3A_2, %get3A_3] : memref<128x64xf32, #tpu.memory_space<vmem>>, vector<128x64xf32>
    %dot_general3A = arith.constant dense<0.000000e+00> : vector<2048x128xf32>
    %dot_general3A_5 = tpu.matmul %get3A_1, %get3A_4, %dot_general3A {dimension_numbers = #tpu.dot_dimension_numbers<[1], [1], [0], [0], [0, 0, 1, 0], [], []>, transpose_lhs_hint = false} : vector<2048x64xf32>, vector<128x64xf32>, vector<2048x128xf32> -> vector<2048x128xf32>
    %swap3A = arith.constant 0 : index
    %swap3A_6 = arith.constant 0 : index
    %swap3A_7 = vector.load %arg3[%swap3A, %swap3A_6] : memref<2048x128xf32, #tpu.memory_space<vmem>>, vector<2048x128xf32>
    tpu.vector_store %arg3[%swap3A, %swap3A_6], %dot_general3A_5 {strides = array<i32>} : memref<2048x128xf32, #tpu.memory_space<vmem>>, vector<2048x128xf32>,
    return
  }
  func.func @transform_0(%arg0: i32) -> (i32, i32) {
    %c0_i32 = arith.constant 0 : i32
    %c0_i32_0 = arith.constant 0 : i32
    return %arg0, %c0_i32 : i32, i32
  }
  func.func @transform_1(%arg0: i32) -> (i32, i32) {
    %c0_i32 = arith.constant 0 : i32
    %c0_i32_0 = arith.constant 0 : i32
    %c0_i32_1 = arith.constant 0 : i32
    return %c0_i32, %c0_i32_0 : i32, i32
  }
  func.func @transform_2(%arg0: i32) -> (i32, i32) {
    %c0_i32 = arith.constant 0 : i32
    %c0_i32_0 = arith.constant 0 : i32
    return %arg0, %c0_i32 : i32, i32
  }
}

</mosaic_0001>

<sc_bundles>
// kernel: kernel.5.cloned.1.call-start
scs
__scs_entry_jumppad:
0x0: {  	(pc) =	sbr.rel $0x88, $3  }
0x1: {  	(tag) =	ssettag $0x0;
	lr =	simm.s32 $0x1  }
0x2: {  	[smem:$0x3F9E] =	sst lr;
	_ =	strace $0xD0000000  }
0x3: {  	_ = 	snop  }
0x4: {  	_ = 	snop  }
0x5: {  	_ = 	snop  }
0x6: {  	_ = 	snop  }
0x7: {  	_ = 	snop  }
__scs_overlays_trampoline_lowered:
0x8: {  	[smem:$0x3FAD] =	sst s0  }
0x9: {  	[smem:$0x3FAE] =	sst s1  }
0xa: {  	[smem:$0x3FAF] =	sst s2  }
0xb: {  	[smem:$0x3FB0] =	sst s3  }
0xc: {  	[smem:$0x3FB1] =	sst s4  }
0xd: {  	[smem:$0x3FB2] =	sst s5  }
0xe: {  	[smem:$0x3FB3] =	sst s6  }
0xf: {  	[smem:$0x3FB4] =	sst s7  }
0x10: {  	[smem:$0x3FB5] =	sst s8  }
0x11: {  	[smem:$0x3FB6] =	sst s9;
	s0 =	simm.s32 @!p0 $0x0  }
0x12: {  	s1 =	sld [smem:$0x3F9C];
	s0 =	simm.s32 @p0 $0x1  }
0x13: {  	[smem:$0x3FB7] =	sst s0;
	s0 =	simm.s32 @!p1 $0x0  }
0x14: {  	s2 =	sld [smem:$0x3F9B];
	s0 =	simm.s32 @p1 $0x1  }
0x15: {  	[smem:$0x3FB8] =	sst s0;
	s0 =	simm.s32 @!p2 $0x0  }
0x16: {  	s3 =	sld [smem:$0x3FDB];
	s0 =	simm.s32 @p2 $0x1  }
0x17: {  	s4 =	simm.s32 $0x1BF5;
	[smem:$0x3FBA] =	sst s0  }
0x18: {  	s0 =	sld [smem:$0x3F9D];
	_ =	swait.ge [sflag:s4], $0x0  }
0x19: {  	s7 =	sld [smem:$0x3F9E]  }
0x1a: {  	s8 =	sadd.s32 $0xFFFFE003, lr  }
0x1b: {  	s9 =	sadd.s32 $0xFFFFFEF7, lr;
	s5 =	simm.s32 $0xFFFFFFFF;
	p2 =	slt.u32 s8, $0xFFFFF086  }
0x1c: {  	p1 =	slt.u32 s9, $0xF7A;
	s5 =	simm.s32 @!p2 $0x0  }
0x1d: {  	s5 =	simm.s32 @p1 $0x1;
	p0 =	seq.s32 s7, s2  }
0x1e: {  	s7 =	smul.u32 @!p0 $0xF7A, s2;
	p2 =	seq.s32 @!p0 s5, $0x0  }
0x1f: {  	s9 =	smul.u32 $0xF7A, s1;
	s8 =	simm.s32 @!p0 $0x1BF5;
	p2 =	por !p2, p0  }
0x20: {  	[sflag:s8] =	ssyncset.s32 @!p0 $0xFFFFF086;
	s6 =	sadd.s32 @!p0 s3, s7;
	s7 =	simm.s32 @!p0 $0x108  }
0x21: {  	s3 =	sadd.s32 s3, s9;
	s6 =	sadd.s32 @!p0 $0x88, s6;
	s7 =	simm.s32 @p2 $0x1082  }
0x22: {  	[simem:s7], [sflag:s8] =	dma.local @!p0 [hbm:s6], $0xF7A  }
0x23: {  	s9 =	sor.u32 $0xD0000000, s2;
	s6 =	simm.s32 $0x108;
	_ =	swait.ge @!p0 [sflag:s8], $0x0  }
0x24: {  	s3 =	sadd.s32 $0x88, s3;
	s6 =	simm.s32 @!p1 $0x1082;
	[sflag:s4] =	ssyncset.s32 $0xFFFFF086  }
0x25: {  	[simem:s6], [sflag:s4] =	dma.local [hbm:s3], $0xF7A  }
0x26: {  	[smem:$0x3F9E] =	sst s1;
	(tag) =	ssettag s2;
	_ =	strace s9  }
0x27: {  	s1 =	sld [smem:$0x3FAE]  }
0x28: {  	s2 =	sld [smem:$0x3FAF]  }
0x29: {  	s4 =	sld [smem:$0x3FB1]  }
0x2a: {  	p0 =	seq.s32 s5, $0x0;
	s5 =	sld [smem:$0x3FB2]  }
0x2b: {  	s6 =	sld [smem:$0x3FB3]  }
0x2c: {  	s7 =	sld [smem:$0x3FB4]  }
0x2d: {  	s3 =	simm.s32 $0x108;
	s8 =	sld [smem:$0x3FB5]  }
0x2e: {  	s3 =	simm.s32 @!p0 $0x1082;
	s9 =	sld [smem:$0x3FB6]  }
0x2f: {  	lr =	sadd.s32 s0, s3;
	s0 =	sld [smem:$0x3FAD]  }
0x30: {  	s3 =	sld [smem:$0x3FB0]  }
0x31: {  	[smem:$0x3FB9] =	sst s10  }
0x32: {  	s10 =	sld [smem:$0x3FB7];
	_ =	sdelay $0x3  }
0x33: {  	p0 =	seq.s32 s10, $0x1;
	s10 =	sld [smem:$0x3FB9];
	_ =	sdelay $0x3  }
0x34: {  	[smem:$0x3FB9] =	sst s10  }
0x35: {  	s10 =	sld [smem:$0x3FB8];
	_ =	sdelay $0x3  }
0x36: {  	p1 =	seq.s32 s10, $0x1;
	s10 =	sld [smem:$0x3FB9];
	_ =	sdelay $0x3  }
0x37: {  	[smem:$0x3FB9] =	sst s10  }
0x38: {  	s10 =	sld [smem:$0x3FBA]  }
0x39: {  	_ = 	snop;
	(pc) =	sbr.ind lr, $3  }
0x3a: {  	_ = 	snop  }
0x3b: {  	_ = 	snop  }
0x3c: {  	p2 =	seq.s32 s10, $0x1;
	s10 =	sld [smem:$0x3FB9]  }
0x3d: {  	_ =	shalt  }
0x3e: {  	_ =	shalt  }
0x3f: {  	_ =	shalt  }
0x40: {  	_ =	shalt  }
0x41: {  	_ =	shalt  }
0x42: {  	_ =	shalt  }
0x43: {  	_ =	shalt  }
0x44: {  	_ =	shalt  }
0x45: {  	_ =	shalt  }
0x46: {  	_ =	shalt  }
0x47: {  	_ =	shalt  }
0x48: {  	_ =	shalt  }
0x49: {  	_ =	shalt  }
0x4a: {  	_ =	shalt  }
0x4b: {  	_ =	shalt  }
0x4c: {  	_ =	shalt  }
0x4d: {  	_ =	shalt  }
0x4e: {  	_ =	shalt  }
0x4f: {  	_ =	shalt  }
0x50: {  	_ =	shalt  }
0x51: {  	_ =	shalt  }
0x52: {  	_ =	shalt  }
0x53: {  	_ =	shalt  }
0x54: {  	_ =	shalt  }
0x55: {  	_ =	shalt  }
0x56: {  	_ =	shalt  }
0x57: {  	_ =	shalt  }
0x58: {  	_ =	shalt  }
0x59: {  	_ =	shalt  }
0x5a: {  	_ =	shalt  }
0x5b: {  	_ =	shalt  }
0x5c: {  	_ =	shalt  }
0x5d: {  	_ =	shalt  }
0x5e: {  	_ =	shalt  }
0x5f: {  	_ =	shalt  }
0x60: {  	_ =	shalt  }
0x61: {  	_ =	shalt  }
0x62: {  	_ =	shalt  }
0x63: {  	_ =	shalt  }
0x64: {  	_ =	shalt  }
0x65: {  	_ =	shalt  }
0x66: {  	_ =	shalt  }
0x67: {  	_ =	shalt  }
0x68: {  	_ =	shalt  }
0x69: {  	_ =	shalt  }
0x6a: {  	_ =	shalt  }
0x6b: {  	_ =	shalt  }
0x6c: {  	_ =	shalt  }
0x6d: {  	_ =	shalt  }
0x6e: {  	_ =	shalt  }
0x6f: {  	_ =	shalt  }
0x70: {  	_ =	shalt  }
0x71: {  	_ =	shalt  }
0x72: {  	_ =	shalt  }
0x73: {  	_ =	shalt  }
0x74: {  	_ =	shalt  }
0x75: {  	_ =	shalt  }
0x76: {  	_ =	shalt  }
0x77: {  	_ =	shalt  }
0x78: {  	_ =	shalt  }
0x79: {  	_ =	shalt  }
0x7a: {  	_ =	shalt  }
0x7b: {  	_ =	shalt  }
0x7c: {  	_ =	shalt  }
0x7d: {  	_ =	shalt  }
0x7e: {  	_ =	shalt  }
0x7f: {  	_ =	shalt  }
0x80: {  	_ =	shalt  }
0x81: {  	_ =	shalt  }
0x82: {  	_ =	shalt  }
0x83: {  	_ =	shalt  }
0x84: {  	_ =	shalt  }
0x85: {  	_ =	shalt  }
0x86: {  	_ =	shalt  }
0x87: {  	_ =	shalt  }
.Lfunc_end0:
.L_simem_size_0:
called_computation_lowered:
.L_overlay_start_0:
0x88: {  	s2 =	sld [smem:$0x3FD9]  }
0x89: {  	s3 =	sld [smem:$0x3FFE];
	_ =	sdelay $0x1  }
0x8a: {  	s1 =	srdreg.scid  }
0x8b: {  	s0 =	sand.u32 $0x1, s1  }
0x8c: {  	s17 =	sshll.u32 s0, $0xA;
	s2 =	sadd.s32 s3, s2  }
0x8d: {  	s2 =	sadd.s32 s2, s17  }
0x8e: {  	[smem:$0x3FC5] =	sst s2  }
0x8f: {  	_ = 	snop  }
0x90: {  	s2 =	sld [smem:$0x3FD0];
	(tm) =	ssettm $0x1  }
0x91: {  	s18 =	sld [smem:$0x3FFB];
	_ =	sdelay $0x3  }
0x92: {  	_ =	strace s18  }
0x93: {  	s3 =	sld [smem:$0x3FFC];
	_ =	sdelay $0x3  }
0x94: {  	_ =	strace s3  }
0x95: {  	s3 =	sld [smem:$0x3FFD];
	_ =	sdelay $0x3  }
0x96: {  	_ =	strace s3  }
0x97: {  	_ =	strace $0x8FFFFFFF  }
0x98: {  	s19 =	sld [smem:$0x3FDB];
	_ =	sdelay $0x1  }
0x99: {  	s4 =	simm.s32 $_scs_section_size  }
0x9a: {  	s5 =	simm.s32 $_size__tile_overlayer_lowered;
	s6 =	simm.s32 $_tile_overlayer_lowered  }
0x9b: {  	s22 =	simm.s32 $0x1BFF;
	s21 =	sshll.u32 s6, $0x1;
	s3 =	sadd.s32 s4, s19  }
0x9c: {  	s7 =	simm.s32 $0x0;
	s20 =	sshll.u32 s5, $0x1;
	s5 =	sadd.s32 s21, s3  }
0x9d: {  	[timem:s7], [sflag:s22] =	dma.local [hbm:s5], s20  }
0x9e: {  	_ =	swait.ge [sflag:s22], s20  }
0x9f: {  	s4 =	ssub.s32 $0x0, s20;
	[sflag:s22] =	ssyncset.done $0x0  }
0xa0: {  	[sflag:s22] =	ssyncadd.s32 s4;
	_ =	sdelay $0x1  }
0xa1: {  	s23 =	simm.s32 $0x1B8B  }
0xa2: {  	_ =	swait.ge [sflag:s23], $0x1  }
0xa3: {  	[sflag:s23] =	ssyncset.done $0x0  }
0xa4: {  	s25 =	simm.s32 $0x1B8E;
	s24 =	sld [smem:$0x3FFE];
	[sflag:s23] =	ssyncadd.s32 $0xFFFFFFFF  }
0xa5: {  	s26 =	simm.s32 $execute0_lowered;
	[smem:$0x3FD2] =	sst s25  }
0xa6: {  	s5 =	sshll.u32 s26, $0x1;
	_ =	strace $0x80000046;
	[dreg:$0x1] =	wrdreg $0xFFFFFFFF  }
0xa7: {  	s28 =	simm.s32 $_size_execute0_lowered;
	s3 =	sadd.s32 s3, s5;
	[dreg:$0x0] =	wrdreg $0x0  }
0xa8: {  	s5 =	sshll.u32 s28, $0x1;
	[dreg:$0x2] =	wrdreg s3  }
0xa9: {  	[dreg:$0x3] =	wrdreg s5  }
0xaa: {  	[dreg:$0x4] =	wrdreg $0xC0  }
0xab: {  	_ =	task [dreg:s7], $0x5FFFF  }
0xac: {  	[dreg:$0x1] =	wrdreg $0xFFFFFFFF  }
0xad: {  	[dreg:$0x0] =	wrdreg $0x60  }
0xae: {  	[dreg:$0x2] =	wrdreg s24  }
0xaf: {  	[dreg:$0x3] =	wrdreg s2  }
0xb0: {  	[dreg:$0x4] =	wrdreg $0x9  }
0xb1: {  	_ =	task.clear_ibuf [dreg:s7], $0x5FFFF;
	_ =	strace $0x90000046  }
0xb2: {  	s29 =	simm.s32 $0x9;
	_ =	strace $0x80000048  }
0xb3: {  	_ =	swait.ge [sflag:s29], $0x1  }
0xb4: {  	[sflag:s29] =	ssyncadd.s32 $0xFFFFFFFF  }
0xb5: {  	_ =	strace $0x90000048  }
0xb6: {  	_ =	sfence  }
0xb7: {  	s30 =	sld [smem:$0x0];
	_ =	sdelay $0x2  }
0xb8: {  	s31 =	sshll.u32 s1, $0xD;
	s1 =	sshrl.u32 s1, $0x2  }
0xb9: {  	s3 =	sand.u32 $0x4000, s31;
	s1 =	sadd.s32 s1, s30  }
0xba: {  	s0 =	sor.u32 s3, s0;
	s1 =	sshll.u32 s1, $0x11  }
0xbb: {  	s0 =	sor.u32 s1, s0  }
0xbc: {  	s0 =	sadd.s32 $0x8F2B, s0  }
0xbd: {  	[sflag:s0] =	ssyncadd.remote.s32 $0x1  }
0xbe: {  	_ =	sfence.sel $0xFFFF  }
0xbf: {  	[dreg:$0x0] =	wrdreg $0xFFFFFFFF;
	(pc) =	sbr.abs _section_cstart, $3  }
0xc0: {  	[dreg:$0x1] =	wrdreg $0xFFFFFFFF  }
0xc1: {  	_ =	task.clear_ibuf [dreg:s7], $0x2FFFF;
	_ =	strace $0x9FFFFFFF  }
0xc2: {  	(tm) =	ssettm $0x7FFFFFFF  }
0xc3: {  	_ =	shalt  }
tec
execute0_lowered:
.L_overlay_start_1:
0x0: {  	(tag) =	ssettag $0x1  }
0x1: {  	s1 =	srdreg.scid;
	s3 =	rddreg [dreg:$0x0]  }
0x2: {  	s0 =	stileid.u32;
	s5 =	rddreg [dreg:$0x1];
	s2 =	simm.s32 $0x0  }
0x3: {  	s9 =	simm.s32 $0x6800;
	s10 =	simm.s32 $0x8100;
	s11 =	simm.s32 $0x1  }
0x4: {  	s12 =	simm.s32 $0x2;
	s13 =	simm.s32 $0x9A00;
	s14 =	simm.s32 $0x0  }
0x5: {  	s4 =	sand.u32 $0x1, s1;
	s31 =	sshll.u32 s0, $0x1;
	s1 =	rddreg [dreg:$0x2]  }
0x6: {  	[smem:$0x7FF] =	sst s2;
	s6 =	sor.u32 s4, s31;
	s4 =	ssub.s32 $0x2, s4  }
0x7: {  	s7 =	smul.u32 $0xD00, s6;
	s8 =	sshrl.u32 s4, $0x1;
	s6 =	sshll.u32 s6, $0xC  }
0x8: {  	_ =	strace $0x80000047;
	s8 =	ssub.s32 s4, s8;
	s5 =	sadd.s32 s5, s6  }
0x9: {  	s7 =	sadd.s32 s7, s3;
	s3 =	sadd.s32 $0x1A600, s3;
	s6 =	smax.u32 s8, $0x1  }
0xa: {  	s8 =	simm.s32 $0x64;
	s4 =	sadd.s32 $0x600, s7;
	s7 =	simm.s32 $0x3  }
.LBB2_1:
0xb: {  	[tilespmem:s2], [sflag:$0x3] =	stream.linear.gather [hbm4b:s4+s2], $0x6800, $0x38;
	[tilespmem:$0x11A00] =	vst v63  }
0xc: {  	_ =	swait.ge [sflag:s7], $0x6800  }
0xd: {  	[sflag:s7] =	ssyncset.done $0x0  }
0xe: {  	s16 =	simm.s32 $0x0;
	[sflag:s7] =	ssyncadd.s32 $0xFFFF9800  }
0xf: {  	[tilespmem:s9], [sflag:$0x1] =	stream.indirect.gather [hbm4b:s3+s8], $0x40, s2, s8, $0xb8;
	[tilespmem:$0x11A00] =	vst v63  }
.LBB2_2:
0x10: {  	s15 =	sshllo.u32 s16, $0x1  }
0x11: {  	s17 =	smul.u32 $0x1A0, s15;
	_ =	sdelay $0x1  }
0x12: {  	s17 =	sshra.s32 s17, $0x2  }
0x13: {  	[tilespmem:s10], [sflag:$0x2] =	stream.indirect.gather [hbm4b:s3+s8], $0x40, s17, s8, $0xb8;
	[tilespmem:$0x11A00] =	vst v63  }
0x14: {  	_ =	swait.ge [sflag:s11], $0x1900  }
0x15: {  	[sflag:s11] =	ssyncset.done $0x0  }
0x16: {  	s18 =	simm.s32 $0x0;
	[sflag:s11] =	ssyncadd.s32 $0xFFFFE700  }
0x17: {  	v1 =	vld [tilespmem:s18+$0x6830]  }
0x18: {  	v2 =	vld [tilespmem:s18+$0x6800]  }
0x19: {  	v0 =	vimm.f32 $0.0e+00;
	v3 =	vld [tilespmem:s18+$0x6810]  }
0x1a: {  	v7 =	vimm.f32 $0.0e+00;
	v6 =	vimm.f32 $0.0e+00;
	v5 =	vimm.f32 $0.0e+00;
	s17 =	simm.s32 $0x100;
	v4 =	vld [tilespmem:s18+$0x6820]  }
.LBB2_3:
0x1b: {  	p0 =	sne.s32 s17, $0x3100  }
.Ltmp0:
0x1c: {  	s18 =	sshra.s32 s17, $0x2;
	s17 =	sadd.s32 $0x100, s17;
	v0 =	vadd.f32 v1, v0;
	(pc) =	sbr.rel @p0 .LBB2_3-.Ltmp0, $4  }
0x1d: {  	v1 =	vld [tilespmem:s18+$0x6830];
	v7 =	vadd.f32 v2, v7  }
0x1e: {  	v2 =	vld [tilespmem:s18+$0x6800];
	v6 =	vadd.f32 v3, v6  }
0x1f: {  	v3 =	vld [tilespmem:s18+$0x6810];
	v5 =	vadd.f32 v4, v5  }
0x20: {  	v4 =	vld [tilespmem:s18+$0x6820]  }
0x21: {  	_ = 	snop  }
0x22: {  	s17 =	sshll.u32 s16, $0x8;
	v0 =	vadd.f32 v1, v0  }
0x23: {  	s17 =	sand.u32 $0x3FFFFF00, s17;
	v2 =	vadd.f32 v2, v7  }
0x24: {  	v3 =	vadd.f32 v3, v6;
	[tilespmem:s17+$0x9A30] =	vst v0  }
0x25: {  	v4 =	vadd.f32 v4, v5;
	[tilespmem:s17+$0x9A00] =	vst v2  }
0x26: {  	[tilespmem:s17+$0x9A10] =	vst v3  }
0x27: {  	s19 =	simm.s32 $0x0;
	[tilespmem:s17+$0x9A20] =	vst v4  }
0x28: {  	v1 =	vld [tilespmem:s19+$0x74B0]  }
0x29: {  	v2 =	vld [tilespmem:s19+$0x7480]  }
0x2a: {  	v7 =	vimm.f32 $0.0e+00;
	v3 =	vld [tilespmem:s19+$0x7490]  }
0x2b: {  	s18 =	simm.s32 $0x100;
	v0 =	vimm.f32 $0.0e+00;
	v6 =	vimm.f32 $0.0e+00;
	v5 =	vimm.f32 $0.0e+00;
	v4 =	vld [tilespmem:s19+$0x74A0]  }
.LBB2_5:
0x2c: {  	p0 =	sne.s32 s18, $0x3100  }
.Ltmp1:
0x2d: {  	s19 =	sshra.s32 s18, $0x2;
	s18 =	sadd.s32 $0x100, s18;
	v0 =	vadd.f32 v1, v0;
	(pc) =	sbr.rel @p0 .LBB2_5-.Ltmp1, $4  }
0x2e: {  	v1 =	vld [tilespmem:s19+$0x74B0];
	v6 =	vadd.f32 v2, v6  }
0x2f: {  	v2 =	vld [tilespmem:s19+$0x7480];
	v7 =	vadd.f32 v3, v7  }
0x30: {  	v3 =	vld [tilespmem:s19+$0x7490];
	v5 =	vadd.f32 v4, v5  }
0x31: {  	v4 =	vld [tilespmem:s19+$0x74A0]  }
0x32: {  	_ = 	snop  }
0x33: {  	v0 =	vadd.f32 v1, v0  }
0x34: {  	p0 =	seq.s32 s16, $0x7F;
	v2 =	vadd.f32 v2, v6  }
0x35: {  	s18 =	smul.u32 @!p0 $0x340, s16;
	v3 =	vadd.f32 v3, v7;
	[tilespmem:s17+$0x9A70] =	vst v0  }
0x36: {  	v4 =	vadd.f32 v4, v5;
	[tilespmem:s17+$0x9A40] =	vst v2  }
0x37: {  	s18 =	sshra.s32 @!p0 s18, $0x2;
	[tilespmem:s17+$0x9A50] =	vst v3  }
0x38: {  	s19 =	simm.s32 @!p0 $0x6800;
	[tilespmem:s17+$0x9A60] =	vst v4;
	s17 =	sadd.s32 @!p0 $0xD0, s18;
	s18 =	simm.s32 @!p0 $0x64  }
0x39: {  	[tilespmem:s19], [sflag:$0x1] =	stream.indirect.gather @!p0 [hbm4b:s3+s18], $0x40, s17, s18, $0xb8;
	[tilespmem:$0x11A00] =	vst v63  }
0x3a: {  	_ =	swait.ge [sflag:s12], $0x1900  }
0x3b: {  	[sflag:s12] =	ssyncset.done $0x0  }
0x3c: {  	s31 =	simm.s32 $0x0;
	[sflag:s12] =	ssyncadd.s32 $0xFFFFE700  }
0x3d: {  	v1 =	vld [tilespmem:s31+$0x8130]  }
0x3e: {  	v2 =	vld [tilespmem:s31+$0x8100]  }
0x3f: {  	v6 =	vimm.f32 $0.0e+00;
	v3 =	vld [tilespmem:s31+$0x8110]  }
0x40: {  	s16 =	sadd.s32 $0x1, s16;
	v0 =	vimm.f32 $0.0e+00;
	v7 =	vimm.f32 $0.0e+00;
	v5 =	vimm.f32 $0.0e+00;
	s17 =	simm.s32 $0x100;
	v4 =	vld [tilespmem:s31+$0x8120]  }
.LBB2_7:
0x41: {  	p0 =	sne.s32 s17, $0x3100  }
.Ltmp2:
0x42: {  	s18 =	sshra.s32 s17, $0x2;
	s17 =	sadd.s32 $0x100, s17;
	v0 =	vadd.f32 v1, v0;
	(pc) =	sbr.rel @p0 .LBB2_7-.Ltmp2, $4  }
0x43: {  	v1 =	vld [tilespmem:s18+$0x8130];
	v7 =	vadd.f32 v2, v7  }
0x44: {  	v2 =	vld [tilespmem:s18+$0x8100];
	v6 =	vadd.f32 v3, v6  }
0x45: {  	v3 =	vld [tilespmem:s18+$0x8110];
	v5 =	vadd.f32 v4, v5  }
0x46: {  	v4 =	vld [tilespmem:s18+$0x8120]  }
0x47: {  	_ = 	snop  }
0x48: {  	s15 =	sshll.u32 s15, $0x7;
	v0 =	vadd.f32 v1, v0  }
0x49: {  	s15 =	sand.u32 $0x3FFFFF80, s15;
	v2 =	vadd.f32 v2, v7  }
0x4a: {  	v3 =	vadd.f32 v3, v6;
	[tilespmem:s15+$0x9A30] =	vst v0  }
0x4b: {  	v4 =	vadd.f32 v4, v5;
	[tilespmem:s15+$0x9A00] =	vst v2  }
0x4c: {  	[tilespmem:s15+$0x9A10] =	vst v3  }
0x4d: {  	s18 =	simm.s32 $0x0;
	[tilespmem:s15+$0x9A20] =	vst v4  }
0x4e: {  	v1 =	vld [tilespmem:s18+$0x8DB0]  }
0x4f: {  	v2 =	vld [tilespmem:s18+$0x8D80]  }
0x50: {  	v7 =	vimm.f32 $0.0e+00;
	v3 =	vld [tilespmem:s18+$0x8D90]  }
0x51: {  	s17 =	simm.s32 $0x100;
	v0 =	vimm.f32 $0.0e+00;
	v6 =	vimm.f32 $0.0e+00;
	v5 =	vimm.f32 $0.0e+00;
	v4 =	vld [tilespmem:s18+$0x8DA0]  }
.LBB2_9:
0x52: {  	p0 =	sne.s32 s17, $0x3100  }
.Ltmp3:
0x53: {  	s18 =	sshra.s32 s17, $0x2;
	s17 =	sadd.s32 $0x100, s17;
	v0 =	vadd.f32 v1, v0;
	(pc) =	sbr.rel @p0 .LBB2_9-.Ltmp3, $4  }
0x54: {  	v1 =	vld [tilespmem:s18+$0x8DB0];
	v5 =	vadd.f32 v2, v5  }
0x55: {  	v2 =	vld [tilespmem:s18+$0x8D80];
	v6 =	vadd.f32 v3, v6  }
0x56: {  	v3 =	vld [tilespmem:s18+$0x8D90];
	v7 =	vadd.f32 v4, v7  }
0x57: {  	v4 =	vld [tilespmem:s18+$0x8DA0]  }
0x58: {  	_ = 	snop  }
0x59: {  	p0 =	sne.s32 s16, $0x80;
	v0 =	vadd.f32 v1, v0  }
.Ltmp4:
0x5a: {  	v2 =	vadd.f32 v2, v5;
	(pc) =	sbr.rel @p0 .LBB2_2-.Ltmp4, $4  }
0x5b: {  	v3 =	vadd.f32 v3, v6;
	[tilespmem:s15+$0x9A70] =	vst v0  }
0x5c: {  	v4 =	vadd.f32 v4, v7;
	[tilespmem:s15+$0x9A40] =	vst v2  }
0x5d: {  	[tilespmem:s15+$0x9A50] =	vst v3  }
0x5e: {  	[tilespmem:s15+$0x9A60] =	vst v4  }
0x5f: {  	s14 =	sadd.s32 $0x1, s14  }
0x60: {  	p0 =	sne.s32 s14, s6  }
.Ltmp5:
0x61: {  	_ = 	snop;
	(pc) =	sbr.rel @p0 .LBB2_1-.Ltmp5, $4  }
0x62: {  	[hbm4b:s5+s2] =	stream.linear.scatter [tilespmem:s13], [sflag:$0x3], $0x8000, $0x38;
	[tilespmem:$0x11A00] =	vst v63  }
0x63: {  	_ =	swait.ge [sflag:s7], $0x8000  }
0x64: {  	[sflag:s7] =	ssyncset.done $0x0  }
0x65: {  	[sflag:s7] =	ssyncadd.s32 $0xFFFF8000  }
0x66: {  	_ =	sfence.sel $0x180000  }
0x67: {  	[bflag:$0x0] =	sbarrier.arrive $0xFFFF  }
0x68: {  	p0 =	sne.s32 s0, $0x0;
	_ =	strace $0x90000047  }
0x69: {  	s0 =	sadd.s32 @!p0 $0x100000, s1;
	[bflag:$0x2] =	sbarrier.arrive $0xFFFF  }
0x6a: {  	[sflag:s0] =	ssyncadd.tile.s32 @!p0 $0x1;
	_ =	shalt  }
.Lfunc_end2:
_tile_overlayer_lowered:
.L_overlay_start_2:
0x6b: {  	(tag) =	ssettag $0x2  }
0x6c: {  	s0 =	rddreg [dreg:$0x0];
	s2 =	stileid.u32  }
0x6d: {  	s1 =	rddreg [dreg:$0x1];
	p0 =	sne.s32 s2, $0x0  }
0x6e: {  	s3 =	rddreg [dreg:$0x2];
	[bflag:$0x3] =	sbarrier.arrive $0xFFFF;
	s2 =	simm.s32 @!p0 $0x1C03  }
0x6f: {  	[timem:s3], [sflag:s2] =	dma.local @!p0 [hbm:s0], s1  }
0x70: {  	s0 =	simm.s32 @!p0 $0x3  }
0x71: {  	_ =	swait.ge @!p0 [sflag:s0], s1  }
0x72: {  	s1 =	ssub.s32 @!p0 $0x0, s1;
	[sflag:s0] =	ssyncset.done @!p0 $0x0  }
0x73: {  	[sflag:s0] =	ssyncadd.s32 @!p0 s1  }
0x74: {  	[bflag:$0x3] =	sbarrier.arrive $0xFFFF  }
0x75: {  	_ =	shalt  }

</sc_bundles>
